<compile_context>
chip_gen: v7x
topology: tpu7x:2x2x1
jax: 0.10.2.dev20260603
libtpu: 0.0.44.dev20260713+nightly
codegen_flags: <defaults>
</compile_context>

<pallas_src>
import functools

import jax
import jax.numpy as jnp
from jax import lax
from jax.experimental import pallas as pl
from jax.experimental.pallas import tpu as pltpu
from jax.experimental.pallas import tpu_sc as plsc

B, C = 4, 128
N_FINE = 40962
N_COARSE = 10242
PATCH = 7

L = 16
NROWS = B * C
NF_PAD = 41088
NC_PAD = 10368
NB = 864
N_CHUNKS = NC_PAD // L
ROWS_PER_TILE = NROWS // 32


def _sc_maxpool(xp, v2p, npp):
    mesh = plsc.VectorSubcoreMesh(core_axis_name="c", subcore_axis_name="s")

    @functools.partial(
        pl.kernel,
        mesh=mesh,
        compiler_params=pltpu.CompilerParams(
            needs_layout_passes=False, use_tc_tiling_on_sc=False),
        out_type=jax.ShapeDtypeStruct((B, C, NC_PAD), jnp.float32),
        scratch_types=[
            pltpu.VMEM((PATCH * NC_PAD,), jnp.int32),
            pltpu.VMEM_SHARED((PATCH * NC_PAD,), jnp.int32),
        ],
    )
    def k(xp_hbm, v2p_hbm, npp_hbm, out_hbm, idxT, idxT_sh):
        sid = lax.axis_index("s")
        wid = sid * 2 + lax.axis_index("c")

        NUNITS = (NC_PAD // NB) * PATCH

        def phase1(v2pbuf, npbuf):
            pltpu.sync_copy(v2p_hbm, v2pbuf)
            iot = lax.iota(jnp.int32, L)

            def unit_body(t, carry):
                u = sid + 16 * t

                @pl.when(u < NUNITS)
                def _():
                    cc = u // PATCH
                    p = lax.rem(u, PATCH)
                    base = p * NC_PAD + cc * NB
                    pltpu.sync_copy(npp_hbm.at[pl.ds(cc * NB, NB), :], npbuf)
                    colv = jnp.full((L,), 0, jnp.int32) + p

                    def comp_body(ci, carry2):
                        rowv = iot + ci * L
                        iv = plsc.load_gather(npbuf, [rowv, colv])
                        fv = plsc.load_gather(v2pbuf, [iv])
                        idxT[pl.ds(base + ci * L, L)] = fv
                        return carry2

                    lax.fori_loop(0, NB // L, comp_body, 0)
                    pltpu.sync_copy(idxT.at[pl.ds(base, NB)],
                                    idxT_sh.at[pl.ds(base, NB)])
                return carry

            lax.fori_loop(0, (NUNITS + 15) // 16, unit_body, 0)
            plsc.subcore_barrier()
            pltpu.sync_copy(idxT_sh, idxT)

        pl.run_scoped(phase1,
                      pltpu.VMEM((N_FINE,), jnp.int32),
                      pltpu.VMEM((NB, PATCH), jnp.int32))

        def phase2(xrow, outbuf):
            def row_body(kk, carry):
                r = wid * ROWS_PER_TILE + kk
                b = r // C
                c = lax.rem(r, C)
                pltpu.sync_copy(xp_hbm.at[b, c, :], xrow)

                def chunk_body(ci, carry2):
                    i0 = ci * L
                    g = [plsc.load_gather(
                        xrow, [idxT[pl.ds(p * NC_PAD + i0, L)]])
                        for p in range(PATCH)]
                    m01 = jnp.maximum(g[0], g[1])
                    m23 = jnp.maximum(g[2], g[3])
                    m45 = jnp.maximum(g[4], g[5])
                    acc = jnp.maximum(jnp.maximum(m01, m23),
                                      jnp.maximum(m45, g[6]))
                    outbuf[pl.ds(i0, L)] = acc
                    return carry2

                lax.fori_loop(0, N_CHUNKS, chunk_body, 0)
                pltpu.sync_copy(outbuf, out_hbm.at[b, c, :])
                return carry

            lax.fori_loop(0, ROWS_PER_TILE, row_body, 0)

        pl.run_scoped(phase2,
                      pltpu.VMEM((NF_PAD,), jnp.float32),
                      pltpu.VMEM((NC_PAD,), jnp.float32))

    return k(xp, v2p, npp)


def kernel(x, vertices_to_prev_lvl, neighbor_patches):
    xp = jnp.pad(x, ((0, 0), (0, 0), (0, NF_PAD - N_FINE)))
    npp = jnp.pad(neighbor_patches, ((0, NC_PAD - N_COARSE), (0, 0)))
    out_pad = _sc_maxpool(xp, vertices_to_prev_lvl, npp)
    return out_pad[:, :, :N_COARSE]

# --- scband reference (transcript-rebuilt; emitter-appended) ---
"""Pipeline reference for scband-max-pool-49263274885414 (READ-ONLY COPY).

The authoritative reference and input builder live on the scoring server;
editing this copy changes nothing except your own understanding.
"""

import jax, jax.numpy as jnp
import numpy as np

B, C = 4, 128
N_FINE = 40962
N_COARSE = 10242
PATCH = 7


def setup_inputs(seed: int = 0) -> dict:
    key = jax.random.key(seed)
    k1, k2, k3 = jax.random.split(key, 3)
    x = jax.random.normal(k1, (B, C, N_FINE), dtype=jnp.float32)
    vertices_to_prev_lvl = jax.random.randint(k2, (N_FINE,), 0, N_FINE, dtype=jnp.int64 if jax.config.jax_enable_x64 else jnp.int32).astype(jnp.int32)
    neighbor_patches = jax.random.randint(k3, (N_COARSE, PATCH), 0, N_FINE, dtype=jnp.int64 if jax.config.jax_enable_x64 else jnp.int32).astype(jnp.int32)
    return {"x": x, "vertices_to_prev_lvl": vertices_to_prev_lvl, "neighbor_patches": neighbor_patches}


def reference(x, vertices_to_prev_lvl, neighbor_patches):
    # tmp = x[..., self.vertices_to_prev_lvl]
    tmp = jnp.take(x, vertices_to_prev_lvl, axis=-1)  # [B, C, N_FINE]
    # out, _ = torch.max(tmp[:, :, self.neighbor_patches], dim=-1)
    patches = jnp.take(tmp, neighbor_patches, axis=2)  # [B, C, N_COARSE, PATCH]
    out = jnp.max(patches, axis=-1)  # [B, C, N_COARSE]
    return out

if __name__ == "__main__":
    import jax
    _d = setup_inputs()
    print(jax.jit(kernel)(*tuple(_d.values())))

</pallas_src>

<mosaic_0001>
#map = affine_map<(d0, d1) -> (0, 0, 0)>
#map1 = affine_map<(d0, d1) -> (0)>
#map2 = affine_map<(d0, d1) -> (0, 0)>
module attributes {stable_mosaic.version = 14 : i64} {
  func.func @k(%arg0: i32, %arg1: i32, %arg2: memref<4x128x41088xf32, #tpu.memory_space<hbm>>, %arg3: memref<40962xi32, #tpu.memory_space<hbm>>, %arg4: memref<10368x7xi32, #tpu.memory_space<hbm>>, %arg5: memref<4x128x10368xf32, #tpu.memory_space<hbm>>, %arg6: memref<72576xi32, #tpu.memory_space<vmem>>, %arg7: memref<72576xi32, #tpu.memory_space<vmem_shared>>) attributes {dimension_semantics = [#tpu.dimension_semantics<core_parallel>, #tpu.dimension_semantics<subcore_parallel>], iteration_bounds = array<i64: 2, 16>, scalar_prefetch = 0 : i64, scratch_operands = 2 : i64, tpu.core_type = #tpu.core_type<sc_vector_subcore>, window_params = [{transform_indices = #map}, {transform_indices = #map1}, {transform_indices = #map2}, {transform_indices = #map}]} {
    %mul3A = arith.constant 2 : i32
    %mul3A_0 = arith.muli %arg1, %mul3A : i32
    %add3A = arith.addi %mul3A_0, %arg0 : i32
    "tpu.region"() ({
      %run_scoped3A = memref.alloca() : memref<40962xi32, #tpu.memory_space<vmem>>
      %run_scoped3A_1 = memref.alloca() : memref<864x7xi32, #tpu.memory_space<vmem>>
      "tpu.region"() ({
        %run_scoped3A_7 = tpu.sem_alloc : memref<!tpu.dma_semaphore, #tpu.memory_space<semaphore_mem>>
        tpu.enqueue_dma source(%arg3 : memref<40962xi32, #tpu.memory_space<hbm>>) target(%run_scoped3A : memref<40962xi32, #tpu.memory_space<vmem>>) target_semaphore(%run_scoped3A_7 : memref<!tpu.dma_semaphore, #tpu.memory_space<semaphore_mem>>)
        tpu.wait_dma2 semaphore(%run_scoped3A_7 : memref<!tpu.dma_semaphore, #tpu.memory_space<semaphore_mem>>) src(%arg3 : memref<40962xi32, #tpu.memory_space<hbm>>) dst(%run_scoped3A : memref<40962xi32, #tpu.memory_space<vmem>>)
        tpu.yield
      }) : () -> ()
      %iota3A = tpu.iota {dimensions = array<i32: 0>} : vector<16xi32>
      %scan3A = arith.constant 0 : i32
      %scan3A_2 = arith.constant 0 : i32
      %scan3A_3 = arith.constant 6 : i32
      %scan3A_4 = arith.addi %scan3A_2, %scan3A_3 : i32
      %scan3A_5 = arith.constant 1 : i32
      scf.for %scan3A_7 = %scan3A_2 to %scan3A_4 step %scan3A_5  : i32 {
        %mul3A_8 = arith.constant 16 : i32
        %mul3A_9 = arith.muli %mul3A_8, %scan3A_7 : i32
        %add3A_10 = arith.addi %arg1, %mul3A_9 : i32
        %lt3A = arith.constant 84 : i32
        %lt3A_11 = arith.cmpi slt, %add3A_10, %lt3A : i32
        %convert_element_type3A = arith.extui %lt3A_11 : i1 to i32
        %cond3A = arith.constant 0 : i32
        %cond3A_12 = arith.cmpi ne, %convert_element_type3A, %cond3A : i32
        scf.if %cond3A_12 {
          %jit3A = arith.constant 7 : i32
          %div3A = arith.divsi %add3A_10, %jit3A : i32
          %sign3A = arith.constant 0 : i32
          %sign3A_13 = arith.cmpi sgt, %add3A_10, %sign3A : i32
          %sign3A_14 = arith.extui %sign3A_13 : i1 to i32
          %sign3A_15 = arith.constant 0 : i32
          %sign3A_16 = arith.cmpi slt, %add3A_10, %sign3A_15 : i32
          %sign3A_17 = arith.extui %sign3A_16 : i1 to i32
          %sign3A_18 = arith.subi %sign3A_14, %sign3A_17 : i32
          %sign3A_19 = arith.constant 0 : i32
          %sign3A_20 = arith.cmpi sgt, %jit3A, %sign3A_19 : i32
          %sign3A_21 = arith.extui %sign3A_20 : i1 to i32
          %sign3A_22 = arith.constant 0 : i32
          %sign3A_23 = arith.cmpi slt, %jit3A, %sign3A_22 : i32
          %sign3A_24 = arith.extui %sign3A_23 : i1 to i32
          %sign3A_25 = arith.subi %sign3A_21, %sign3A_24 : i32
          %ne3A = arith.cmpi ne, %sign3A_18, %sign3A_25 : i32
          %rem3A = arith.remsi %add3A_10, %jit3A : i32
          %ne3A_26 = arith.constant 0 : i32
          %ne3A_27 = arith.cmpi ne, %rem3A, %ne3A_26 : i32
          %and3A = arith.andi %ne3A, %ne3A_27 : i1
          %sub3A = arith.constant 1 : i32
          %sub3A_28 = arith.subi %div3A, %sub3A : i32
          %select_n3A = arith.select %and3A, %sub3A_28, %div3A : i32
          %rem3A_29 = arith.constant 7 : i32
          %rem3A_30 = arith.remsi %add3A_10, %rem3A_29 : i32
          %mul3A_31 = arith.constant 10368 : i32
          %mul3A_32 = arith.muli %rem3A_30, %mul3A_31 : i32
          %mul3A_33 = arith.constant 864 : i32
          %mul3A_34 = arith.muli %select_n3A, %mul3A_33 : i32
          %add3A_35 = arith.addi %mul3A_32, %mul3A_34 : i32
          %mul3A_36 = arith.constant 864 : i32
          %mul3A_37 = arith.muli %select_n3A, %mul3A_36 : i32
          "tpu.region"() ({
            %run_scoped3A_47 = tpu.sem_alloc : memref<!tpu.dma_semaphore, #tpu.memory_space<semaphore_mem>>
            %dma_start3A = arith.constant 0 : i32
            %dma_start3A_48 = tpu.memref_slice %arg4[%mul3A_37, %dma_start3A] : memref<10368x7xi32, #tpu.memory_space<hbm>> -> memref<864x7xi32, #tpu.memory_space<hbm>>
            %dma_start3A_49 = arith.constant 0 : i32
            %dma_start3A_50 = tpu.memref_slice %arg4[%mul3A_37, %dma_start3A_49] : memref<10368x7xi32, #tpu.memory_space<hbm>> -> memref<864x7xi32, #tpu.memory_space<hbm>>
            tpu.enqueue_dma source(%dma_start3A_50 : memref<864x7xi32, #tpu.memory_space<hbm>>) target(%run_scoped3A_1 : memref<864x7xi32, #tpu.memory_space<vmem>>) target_semaphore(%run_scoped3A_47 : memref<!tpu.dma_semaphore, #tpu.memory_space<semaphore_mem>>)
            %dma_wait3A = arith.constant 0 : i32
            %dma_wait3A_51 = tpu.memref_slice %arg4[%mul3A_37, %dma_wait3A] : memref<10368x7xi32, #tpu.memory_space<hbm>> -> memref<864x7xi32, #tpu.memory_space<hbm>>
            %dma_wait3A_52 = arith.constant 0 : i32
            %dma_wait3A_53 = tpu.memref_slice %arg4[%mul3A_37, %dma_wait3A_52] : memref<10368x7xi32, #tpu.memory_space<hbm>> -> memref<864x7xi32, #tpu.memory_space<hbm>>
            tpu.wait_dma2 semaphore(%run_scoped3A_47 : memref<!tpu.dma_semaphore, #tpu.memory_space<semaphore_mem>>) src(%dma_wait3A_53 : memref<864x7xi32, #tpu.memory_space<hbm>>) dst(%run_scoped3A_1 : memref<864x7xi32, #tpu.memory_space<vmem>>)
            tpu.yield
          }) : () -> ()
          %broadcast_in_dim3A = arith.constant 0 : i32
          %broadcast_in_dim3A_38 = vector.broadcast %broadcast_in_dim3A : i32 to vector<16xi32>
          %add3A_39 = vector.broadcast %rem3A_30 : i32 to vector<16xi32>
          %add3A_40 = arith.addi %broadcast_in_dim3A_38, %add3A_39 : vector<16xi32>
          %scan3A_41 = arith.constant 0 : i32
          %scan3A_42 = arith.constant 0 : i32
          %scan3A_43 = arith.constant 54 : i32
          %scan3A_44 = arith.addi %scan3A_42, %scan3A_43 : i32
          %scan3A_45 = arith.constant 1 : i32
          scf.for %scan3A_47 = %scan3A_42 to %scan3A_44 step %scan3A_45  : i32 {
            %mul3A_48 = arith.constant 16 : i32
            %mul3A_49 = arith.muli %scan3A_47, %mul3A_48 : i32
            %add3A_50 = vector.broadcast %mul3A_49 : i32 to vector<16xi32>
            %add3A_51 = arith.addi %iota3A, %add3A_50 : vector<16xi32>
            %gather3A = tpu.vector_load_idx %run_scoped3A_1[%add3A_51, %add3A_40] : memref<864x7xi32, #tpu.memory_space<vmem>>[vector<16xi32>, vector<16xi32>], vector<16xi32>,
            %gather3A_52 = tpu.vector_load_idx %run_scoped3A[%gather3A] : memref<40962xi32, #tpu.memory_space<vmem>>[vector<16xi32>], vector<16xi32>,
            %mul3A_53 = arith.constant 16 : i32
            %mul3A_54 = arith.muli %scan3A_47, %mul3A_53 : i32
            %add3A_55 = arith.addi %add3A_35, %mul3A_54 : i32
            %swap3A = arith.index_cast %add3A_55 : i32 to index
            %swap3A_56 = tpu.vector_load %arg6[%swap3A] {strides = array<i32>} : memref<72576xi32, #tpu.memory_space<vmem>>, vector<16xi32>,
            tpu.vector_store %arg6[%swap3A], %gather3A_52 {strides = array<i32>} : memref<72576xi32, #tpu.memory_space<vmem>>, vector<16xi32>,
          }
          %scan3A_46 = arith.constant 54 : i32
          "tpu.region"() ({
            %run_scoped3A_47 = tpu.sem_alloc : memref<!tpu.dma_semaphore, #tpu.memory_space<semaphore_mem>>
            %dma_start3A = tpu.memref_slice %arg6[%add3A_35] : memref<72576xi32, #tpu.memory_space<vmem>> -> memref<864xi32, #tpu.memory_space<vmem>>
            %dma_start3A_48 = tpu.memref_slice %arg7[%add3A_35] : memref<72576xi32, #tpu.memory_space<vmem_shared>> -> memref<864xi32, #tpu.memory_space<vmem_shared>>
            %dma_start3A_49 = tpu.memref_slice %arg7[%add3A_35] : memref<72576xi32, #tpu.memory_space<vmem_shared>> -> memref<864xi32, #tpu.memory_space<vmem_shared>>
            %dma_start3A_50 = tpu.memref_slice %arg6[%add3A_35] : memref<72576xi32, #tpu.memory_space<vmem>> -> memref<864xi32, #tpu.memory_space<vmem>>
            tpu.enqueue_dma source(%dma_start3A_50 : memref<864xi32, #tpu.memory_space<vmem>>) target(%dma_start3A_49 : memref<864xi32, #tpu.memory_space<vmem_shared>>) target_semaphore(%run_scoped3A_47 : memref<!tpu.dma_semaphore, #tpu.memory_space<semaphore_mem>>)
            %dma_wait3A = tpu.memref_slice %arg6[%add3A_35] : memref<72576xi32, #tpu.memory_space<vmem>> -> memref<864xi32, #tpu.memory_space<vmem>>
            %dma_wait3A_51 = tpu.memref_slice %arg7[%add3A_35] : memref<72576xi32, #tpu.memory_space<vmem_shared>> -> memref<864xi32, #tpu.memory_space<vmem_shared>>
            %dma_wait3A_52 = tpu.memref_slice %arg7[%add3A_35] : memref<72576xi32, #tpu.memory_space<vmem_shared>> -> memref<864xi32, #tpu.memory_space<vmem_shared>>
            %dma_wait3A_53 = tpu.memref_slice %arg6[%add3A_35] : memref<72576xi32, #tpu.memory_space<vmem>> -> memref<864xi32, #tpu.memory_space<vmem>>
            tpu.wait_dma2 semaphore(%run_scoped3A_47 : memref<!tpu.dma_semaphore, #tpu.memory_space<semaphore_mem>>) src(%dma_wait3A_53 : memref<864xi32, #tpu.memory_space<vmem>>) dst(%dma_wait3A_52 : memref<864xi32, #tpu.memory_space<vmem_shared>>)
            tpu.yield
          }) : () -> ()
        } else {
        }
      }
      %scan3A_6 = arith.constant 6 : i32
      %barrier3A = arith.constant 0 : index
      tpu.barrier barrier_id(%barrier3A)
      "tpu.region"() ({
        %run_scoped3A_7 = tpu.sem_alloc : memref<!tpu.dma_semaphore, #tpu.memory_space<semaphore_mem>>
        tpu.enqueue_dma source(%arg7 : memref<72576xi32, #tpu.memory_space<vmem_shared>>) target(%arg6 : memref<72576xi32, #tpu.memory_space<vmem>>) target_semaphore(%run_scoped3A_7 : memref<!tpu.dma_semaphore, #tpu.memory_space<semaphore_mem>>)
        tpu.wait_dma2 semaphore(%run_scoped3A_7 : memref<!tpu.dma_semaphore, #tpu.memory_space<semaphore_mem>>) src(%arg7 : memref<72576xi32, #tpu.memory_space<vmem_shared>>) dst(%arg6 : memref<72576xi32, #tpu.memory_space<vmem>>)
        tpu.yield
      }) : () -> ()
      tpu.yield
    }) : () -> ()
    "tpu.region"() ({
      %run_scoped3A = memref.alloca() : memref<41088xf32, #tpu.memory_space<vmem>>
      %run_scoped3A_1 = memref.alloca() : memref<10368xf32, #tpu.memory_space<vmem>>
      %scan3A = arith.constant 0 : i32
      %scan3A_2 = arith.constant 0 : i32
      %scan3A_3 = arith.constant 16 : i32
      %scan3A_4 = arith.addi %scan3A_2, %scan3A_3 : i32
      %scan3A_5 = arith.constant 1 : i32
      scf.for %scan3A_7 = %scan3A_2 to %scan3A_4 step %scan3A_5  : i32 {
        %mul3A_8 = arith.constant 16 : i32
        %mul3A_9 = arith.muli %add3A, %mul3A_8 : i32
        %add3A_10 = arith.addi %mul3A_9, %scan3A_7 : i32
        %jit3A = arith.constant 128 : i32
        %div3A = arith.divsi %add3A_10, %jit3A : i32
        %sign3A = arith.constant 0 : i32
        %sign3A_11 = arith.cmpi sgt, %add3A_10, %sign3A : i32
        %sign3A_12 = arith.extui %sign3A_11 : i1 to i32
        %sign3A_13 = arith.constant 0 : i32
        %sign3A_14 = arith.cmpi slt, %add3A_10, %sign3A_13 : i32
        %sign3A_15 = arith.extui %sign3A_14 : i1 to i32
        %sign3A_16 = arith.subi %sign3A_12, %sign3A_15 : i32
        %sign3A_17 = arith.constant 0 : i32
        %sign3A_18 = arith.cmpi sgt, %jit3A, %sign3A_17 : i32
        %sign3A_19 = arith.extui %sign3A_18 : i1 to i32
        %sign3A_20 = arith.constant 0 : i32
        %sign3A_21 = arith.cmpi slt, %jit3A, %sign3A_20 : i32
        %sign3A_22 = arith.extui %sign3A_21 : i1 to i32
        %sign3A_23 = arith.subi %sign3A_19, %sign3A_22 : i32
        %ne3A = arith.cmpi ne, %sign3A_16, %sign3A_23 : i32
        %rem3A = arith.remsi %add3A_10, %jit3A : i32
        %ne3A_24 = arith.constant 0 : i32
        %ne3A_25 = arith.cmpi ne, %rem3A, %ne3A_24 : i32
        %and3A = arith.andi %ne3A, %ne3A_25 : i1
        %sub3A = arith.constant 1 : i32
        %sub3A_26 = arith.subi %div3A, %sub3A : i32
        %select_n3A = arith.select %and3A, %sub3A_26, %div3A : i32
        %rem3A_27 = arith.constant 128 : i32
        %rem3A_28 = arith.remsi %add3A_10, %rem3A_27 : i32
        "tpu.region"() ({
          %run_scoped3A_35 = tpu.sem_alloc : memref<!tpu.dma_semaphore, #tpu.memory_space<semaphore_mem>>
          %dma_start3A = arith.constant 0 : i32
          %dma_start3A_36 = tpu.memref_slice %arg2[%select_n3A, %rem3A_28, %dma_start3A] : memref<4x128x41088xf32, #tpu.memory_space<hbm>> -> memref<1x1x41088xf32, #tpu.memory_space<hbm>>
          %dma_start3A_37 = tpu.memref_squeeze %dma_start3A_36 : memref<1x1x41088xf32, #tpu.memory_space<hbm>> -> memref<41088xf32, #tpu.memory_space<hbm>>
          %dma_start3A_38 = arith.constant 0 : i32
          %dma_start3A_39 = tpu.memref_slice %arg2[%select_n3A, %rem3A_28, %dma_start3A_38] : memref<4x128x41088xf32, #tpu.memory_space<hbm>> -> memref<1x1x41088xf32, #tpu.memory_space<hbm>>
          %dma_start3A_40 = tpu.memref_squeeze %dma_start3A_39 : memref<1x1x41088xf32, #tpu.memory_space<hbm>> -> memref<41088xf32, #tpu.memory_space<hbm>>
          tpu.enqueue_dma source(%dma_start3A_40 : memref<41088xf32, #tpu.memory_space<hbm>>) target(%run_scoped3A : memref<41088xf32, #tpu.memory_space<vmem>>) target_semaphore(%run_scoped3A_35 : memref<!tpu.dma_semaphore, #tpu.memory_space<semaphore_mem>>)
          %dma_wait3A = arith.constant 0 : i32
          %dma_wait3A_41 = tpu.memref_slice %arg2[%select_n3A, %rem3A_28, %dma_wait3A] : memref<4x128x41088xf32, #tpu.memory_space<hbm>> -> memref<1x1x41088xf32, #tpu.memory_space<hbm>>
          %dma_wait3A_42 = tpu.memref_squeeze %dma_wait3A_41 : memref<1x1x41088xf32, #tpu.memory_space<hbm>> -> memref<41088xf32, #tpu.memory_space<hbm>>
          %dma_wait3A_43 = arith.constant 0 : i32
          %dma_wait3A_44 = tpu.memref_slice %arg2[%select_n3A, %rem3A_28, %dma_wait3A_43] : memref<4x128x41088xf32, #tpu.memory_space<hbm>> -> memref<1x1x41088xf32, #tpu.memory_space<hbm>>
          %dma_wait3A_45 = tpu.memref_squeeze %dma_wait3A_44 : memref<1x1x41088xf32, #tpu.memory_space<hbm>> -> memref<41088xf32, #tpu.memory_space<hbm>>
          tpu.wait_dma2 semaphore(%run_scoped3A_35 : memref<!tpu.dma_semaphore, #tpu.memory_space<semaphore_mem>>) src(%dma_wait3A_45 : memref<41088xf32, #tpu.memory_space<hbm>>) dst(%run_scoped3A : memref<41088xf32, #tpu.memory_space<vmem>>)
          tpu.yield
        }) : () -> ()
        %scan3A_29 = arith.constant 0 : i32
        %scan3A_30 = arith.constant 0 : i32
        %scan3A_31 = arith.constant 648 : i32
        %scan3A_32 = arith.addi %scan3A_30, %scan3A_31 : i32
        %scan3A_33 = arith.constant 1 : i32
        scf.for %scan3A_35 = %scan3A_30 to %scan3A_32 step %scan3A_33  : i32 {
          %mul3A_36 = arith.constant 16 : i32
          %mul3A_37 = arith.muli %scan3A_35, %mul3A_36 : i32
          %add3A_38 = arith.constant 0 : i32
          %add3A_39 = arith.addi %add3A_38, %mul3A_37 : i32
          %get3A = arith.index_cast %add3A_39 : i32 to index
          %get3A_40 = tpu.vector_load %arg6[%get3A] {strides = array<i32>} : memref<72576xi32, #tpu.memory_space<vmem>>, vector<16xi32>,
          %gather3A = tpu.vector_load_idx %run_scoped3A[%get3A_40] : memref<41088xf32, #tpu.memory_space<vmem>>[vector<16xi32>], vector<16xf32>,
          %add3A_41 = arith.constant 10368 : i32
          %add3A_42 = arith.addi %add3A_41, %mul3A_37 : i32
          %get3A_43 = arith.index_cast %add3A_42 : i32 to index
          %get3A_44 = tpu.vector_load %arg6[%get3A_43] {strides = array<i32>} : memref<72576xi32, #tpu.memory_space<vmem>>, vector<16xi32>,
          %gather3A_45 = tpu.vector_load_idx %run_scoped3A[%get3A_44] : memref<41088xf32, #tpu.memory_space<vmem>>[vector<16xi32>], vector<16xf32>,
          %add3A_46 = arith.constant 20736 : i32
          %add3A_47 = arith.addi %add3A_46, %mul3A_37 : i32
          %get3A_48 = arith.index_cast %add3A_47 : i32 to index
          %get3A_49 = tpu.vector_load %arg6[%get3A_48] {strides = array<i32>} : memref<72576xi32, #tpu.memory_space<vmem>>, vector<16xi32>,
          %gather3A_50 = tpu.vector_load_idx %run_scoped3A[%get3A_49] : memref<41088xf32, #tpu.memory_space<vmem>>[vector<16xi32>], vector<16xf32>,
          %add3A_51 = arith.constant 31104 : i32
          %add3A_52 = arith.addi %add3A_51, %mul3A_37 : i32
          %get3A_53 = arith.index_cast %add3A_52 : i32 to index
          %get3A_54 = tpu.vector_load %arg6[%get3A_53] {strides = array<i32>} : memref<72576xi32, #tpu.memory_space<vmem>>, vector<16xi32>,
          %gather3A_55 = tpu.vector_load_idx %run_scoped3A[%get3A_54] : memref<41088xf32, #tpu.memory_space<vmem>>[vector<16xi32>], vector<16xf32>,
          %add3A_56 = arith.constant 41472 : i32
          %add3A_57 = arith.addi %add3A_56, %mul3A_37 : i32
          %get3A_58 = arith.index_cast %add3A_57 : i32 to index
          %get3A_59 = tpu.vector_load %arg6[%get3A_58] {strides = array<i32>} : memref<72576xi32, #tpu.memory_space<vmem>>, vector<16xi32>,
          %gather3A_60 = tpu.vector_load_idx %run_scoped3A[%get3A_59] : memref<41088xf32, #tpu.memory_space<vmem>>[vector<16xi32>], vector<16xf32>,
          %add3A_61 = arith.constant 51840 : i32
          %add3A_62 = arith.addi %add3A_61, %mul3A_37 : i32
          %get3A_63 = arith.index_cast %add3A_62 : i32 to index
          %get3A_64 = tpu.vector_load %arg6[%get3A_63] {strides = array<i32>} : memref<72576xi32, #tpu.memory_space<vmem>>, vector<16xi32>,
          %gather3A_65 = tpu.vector_load_idx %run_scoped3A[%get3A_64] : memref<41088xf32, #tpu.memory_space<vmem>>[vector<16xi32>], vector<16xf32>,
          %add3A_66 = arith.constant 62208 : i32
          %add3A_67 = arith.addi %add3A_66, %mul3A_37 : i32
          %get3A_68 = arith.index_cast %add3A_67 : i32 to index
          %get3A_69 = tpu.vector_load %arg6[%get3A_68] {strides = array<i32>} : memref<72576xi32, #tpu.memory_space<vmem>>, vector<16xi32>,
          %gather3A_70 = tpu.vector_load_idx %run_scoped3A[%get3A_69] : memref<41088xf32, #tpu.memory_space<vmem>>[vector<16xi32>], vector<16xf32>,
          %max3A = arith.maximumf %gather3A, %gather3A_45 : vector<16xf32>
          %max3A_71 = arith.maximumf %gather3A_50, %gather3A_55 : vector<16xf32>
          %max3A_72 = arith.maximumf %gather3A_60, %gather3A_65 : vector<16xf32>
          %max3A_73 = arith.maximumf %max3A, %max3A_71 : vector<16xf32>
          %max3A_74 = arith.maximumf %max3A_72, %gather3A_70 : vector<16xf32>
          %max3A_75 = arith.maximumf %max3A_73, %max3A_74 : vector<16xf32>
          %swap3A = arith.index_cast %mul3A_37 : i32 to index
          %swap3A_76 = tpu.vector_load %run_scoped3A_1[%swap3A] {strides = array<i32>} : memref<10368xf32, #tpu.memory_space<vmem>>, vector<16xf32>,
          tpu.vector_store %run_scoped3A_1[%swap3A], %max3A_75 {strides = array<i32>} : memref<10368xf32, #tpu.memory_space<vmem>>, vector<16xf32>,
        }
        %scan3A_34 = arith.constant 648 : i32
        "tpu.region"() ({
          %run_scoped3A_35 = tpu.sem_alloc : memref<!tpu.dma_semaphore, #tpu.memory_space<semaphore_mem>>
          %dma_start3A = arith.constant 0 : i32
          %dma_start3A_36 = tpu.memref_slice %arg5[%select_n3A, %rem3A_28, %dma_start3A] : memref<4x128x10368xf32, #tpu.memory_space<hbm>> -> memref<1x1x10368xf32, #tpu.memory_space<hbm>>
          %dma_start3A_37 = tpu.memref_squeeze %dma_start3A_36 : memref<1x1x10368xf32, #tpu.memory_space<hbm>> -> memref<10368xf32, #tpu.memory_space<hbm>>
          %dma_start3A_38 = arith.constant 0 : i32
          %dma_start3A_39 = tpu.memref_slice %arg5[%select_n3A, %rem3A_28, %dma_start3A_38] : memref<4x128x10368xf32, #tpu.memory_space<hbm>> -> memref<1x1x10368xf32, #tpu.memory_space<hbm>>
          %dma_start3A_40 = tpu.memref_squeeze %dma_start3A_39 : memref<1x1x10368xf32, #tpu.memory_space<hbm>> -> memref<10368xf32, #tpu.memory_space<hbm>>
          tpu.enqueue_dma source(%run_scoped3A_1 : memref<10368xf32, #tpu.memory_space<vmem>>) target(%dma_start3A_40 : memref<10368xf32, #tpu.memory_space<hbm>>) target_semaphore(%run_scoped3A_35 : memref<!tpu.dma_semaphore, #tpu.memory_space<semaphore_mem>>)
          %dma_wait3A = arith.constant 0 : i32
          %dma_wait3A_41 = tpu.memref_slice %arg5[%select_n3A, %rem3A_28, %dma_wait3A] : memref<4x128x10368xf32, #tpu.memory_space<hbm>> -> memref<1x1x10368xf32, #tpu.memory_space<hbm>>
          %dma_wait3A_42 = tpu.memref_squeeze %dma_wait3A_41 : memref<1x1x10368xf32, #tpu.memory_space<hbm>> -> memref<10368xf32, #tpu.memory_space<hbm>>
          %dma_wait3A_43 = arith.constant 0 : i32
          %dma_wait3A_44 = tpu.memref_slice %arg5[%select_n3A, %rem3A_28, %dma_wait3A_43] : memref<4x128x10368xf32, #tpu.memory_space<hbm>> -> memref<1x1x10368xf32, #tpu.memory_space<hbm>>
          %dma_wait3A_45 = tpu.memref_squeeze %dma_wait3A_44 : memref<1x1x10368xf32, #tpu.memory_space<hbm>> -> memref<10368xf32, #tpu.memory_space<hbm>>
          tpu.wait_dma2 semaphore(%run_scoped3A_35 : memref<!tpu.dma_semaphore, #tpu.memory_space<semaphore_mem>>) src(%run_scoped3A_1 : memref<10368xf32, #tpu.memory_space<vmem>>) dst(%dma_wait3A_45 : memref<10368xf32, #tpu.memory_space<hbm>>)
          tpu.yield
        }) : () -> ()
      }
      %scan3A_6 = arith.constant 16 : i32
      tpu.yield
    }) : () -> ()
    return
  }
}

</mosaic_0001>

<sc_bundles>
// kernel: kernel.3.cloned.1.call-start
scs
__scs_entry_jumppad:
0x0: {  	(pc) =	sbr.rel $0x88, $3  }
0x1: {  	(tag) =	ssettag $0x0;
	lr =	simm.s32 $0x1  }
0x2: {  	[smem:$0x3F9E] =	sst lr;
	_ =	strace $0xD0000000  }
0x3: {  	_ = 	snop  }
0x4: {  	_ = 	snop  }
0x5: {  	_ = 	snop  }
0x6: {  	_ = 	snop  }
0x7: {  	_ = 	snop  }
__scs_overlays_trampoline_lowered:
0x8: {  	[smem:$0x3FAD] =	sst s0  }
0x9: {  	[smem:$0x3FAE] =	sst s1  }
0xa: {  	[smem:$0x3FAF] =	sst s2  }
0xb: {  	[smem:$0x3FB0] =	sst s3  }
0xc: {  	[smem:$0x3FB1] =	sst s4  }
0xd: {  	[smem:$0x3FB2] =	sst s5  }
0xe: {  	[smem:$0x3FB3] =	sst s6  }
0xf: {  	[smem:$0x3FB4] =	sst s7  }
0x10: {  	[smem:$0x3FB5] =	sst s8  }
0x11: {  	[smem:$0x3FB6] =	sst s9;
	s0 =	simm.s32 @!p0 $0x0  }
0x12: {  	s1 =	sld [smem:$0x3F9C];
	s0 =	simm.s32 @p0 $0x1  }
0x13: {  	[smem:$0x3FB7] =	sst s0;
	s0 =	simm.s32 @!p1 $0x0  }
0x14: {  	s2 =	sld [smem:$0x3F9B];
	s0 =	simm.s32 @p1 $0x1  }
0x15: {  	[smem:$0x3FB8] =	sst s0;
	s0 =	simm.s32 @!p2 $0x0  }
0x16: {  	s3 =	sld [smem:$0x3FDB];
	s0 =	simm.s32 @p2 $0x1  }
0x17: {  	s4 =	simm.s32 $0x1BF5;
	[smem:$0x3FBA] =	sst s0  }
0x18: {  	s0 =	sld [smem:$0x3F9D];
	_ =	swait.ge [sflag:s4], $0x0  }
0x19: {  	s7 =	sld [smem:$0x3F9E]  }
0x1a: {  	s8 =	sadd.s32 $0xFFFFE003, lr  }
0x1b: {  	s9 =	sadd.s32 $0xFFFFFEF7, lr;
	s5 =	simm.s32 $0xFFFFFFFF;
	p2 =	slt.u32 s8, $0xFFFFF086  }
0x1c: {  	p1 =	slt.u32 s9, $0xF7A;
	s5 =	simm.s32 @!p2 $0x0  }
0x1d: {  	s5 =	simm.s32 @p1 $0x1;
	p0 =	seq.s32 s7, s2  }
0x1e: {  	s7 =	smul.u32 @!p0 $0xF7A, s2;
	p2 =	seq.s32 @!p0 s5, $0x0  }
0x1f: {  	s9 =	smul.u32 $0xF7A, s1;
	s8 =	simm.s32 @!p0 $0x1BF5;
	p2 =	por !p2, p0  }
0x20: {  	[sflag:s8] =	ssyncset.s32 @!p0 $0xFFFFF086;
	s6 =	sadd.s32 @!p0 s3, s7;
	s7 =	simm.s32 @!p0 $0x108  }
0x21: {  	s3 =	sadd.s32 s3, s9;
	s6 =	sadd.s32 @!p0 $0x88, s6;
	s7 =	simm.s32 @p2 $0x1082  }
0x22: {  	[simem:s7], [sflag:s8] =	dma.local @!p0 [hbm:s6], $0xF7A  }
0x23: {  	s9 =	sor.u32 $0xD0000000, s2;
	s6 =	simm.s32 $0x108;
	_ =	swait.ge @!p0 [sflag:s8], $0x0  }
0x24: {  	s3 =	sadd.s32 $0x88, s3;
	s6 =	simm.s32 @!p1 $0x1082;
	[sflag:s4] =	ssyncset.s32 $0xFFFFF086  }
0x25: {  	[simem:s6], [sflag:s4] =	dma.local [hbm:s3], $0xF7A  }
0x26: {  	[smem:$0x3F9E] =	sst s1;
	(tag) =	ssettag s2;
	_ =	strace s9  }
0x27: {  	s1 =	sld [smem:$0x3FAE]  }
0x28: {  	s2 =	sld [smem:$0x3FAF]  }
0x29: {  	s4 =	sld [smem:$0x3FB1]  }
0x2a: {  	p0 =	seq.s32 s5, $0x0;
	s5 =	sld [smem:$0x3FB2]  }
0x2b: {  	s6 =	sld [smem:$0x3FB3]  }
0x2c: {  	s7 =	sld [smem:$0x3FB4]  }
0x2d: {  	s3 =	simm.s32 $0x108;
	s8 =	sld [smem:$0x3FB5]  }
0x2e: {  	s3 =	simm.s32 @!p0 $0x1082;
	s9 =	sld [smem:$0x3FB6]  }
0x2f: {  	lr =	sadd.s32 s0, s3;
	s0 =	sld [smem:$0x3FAD]  }
0x30: {  	s3 =	sld [smem:$0x3FB0]  }
0x31: {  	[smem:$0x3FB9] =	sst s10  }
0x32: {  	s10 =	sld [smem:$0x3FB7];
	_ =	sdelay $0x3  }
0x33: {  	p0 =	seq.s32 s10, $0x1;
	s10 =	sld [smem:$0x3FB9];
	_ =	sdelay $0x3  }
0x34: {  	[smem:$0x3FB9] =	sst s10  }
0x35: {  	s10 =	sld [smem:$0x3FB8];
	_ =	sdelay $0x3  }
0x36: {  	p1 =	seq.s32 s10, $0x1;
	s10 =	sld [smem:$0x3FB9];
	_ =	sdelay $0x3  }
0x37: {  	[smem:$0x3FB9] =	sst s10  }
0x38: {  	s10 =	sld [smem:$0x3FBA]  }
0x39: {  	_ = 	snop;
	(pc) =	sbr.ind lr, $3  }
0x3a: {  	_ = 	snop  }
0x3b: {  	_ = 	snop  }
0x3c: {  	p2 =	seq.s32 s10, $0x1;
	s10 =	sld [smem:$0x3FB9]  }
0x3d: {  	_ =	shalt  }
0x3e: {  	_ =	shalt  }
0x3f: {  	_ =	shalt  }
0x40: {  	_ =	shalt  }
0x41: {  	_ =	shalt  }
0x42: {  	_ =	shalt  }
0x43: {  	_ =	shalt  }
0x44: {  	_ =	shalt  }
0x45: {  	_ =	shalt  }
0x46: {  	_ =	shalt  }
0x47: {  	_ =	shalt  }
0x48: {  	_ =	shalt  }
0x49: {  	_ =	shalt  }
0x4a: {  	_ =	shalt  }
0x4b: {  	_ =	shalt  }
0x4c: {  	_ =	shalt  }
0x4d: {  	_ =	shalt  }
0x4e: {  	_ =	shalt  }
0x4f: {  	_ =	shalt  }
0x50: {  	_ =	shalt  }
0x51: {  	_ =	shalt  }
0x52: {  	_ =	shalt  }
0x53: {  	_ =	shalt  }
0x54: {  	_ =	shalt  }
0x55: {  	_ =	shalt  }
0x56: {  	_ =	shalt  }
0x57: {  	_ =	shalt  }
0x58: {  	_ =	shalt  }
0x59: {  	_ =	shalt  }
0x5a: {  	_ =	shalt  }
0x5b: {  	_ =	shalt  }
0x5c: {  	_ =	shalt  }
0x5d: {  	_ =	shalt  }
0x5e: {  	_ =	shalt  }
0x5f: {  	_ =	shalt  }
0x60: {  	_ =	shalt  }
0x61: {  	_ =	shalt  }
0x62: {  	_ =	shalt  }
0x63: {  	_ =	shalt  }
0x64: {  	_ =	shalt  }
0x65: {  	_ =	shalt  }
0x66: {  	_ =	shalt  }
0x67: {  	_ =	shalt  }
0x68: {  	_ =	shalt  }
0x69: {  	_ =	shalt  }
0x6a: {  	_ =	shalt  }
0x6b: {  	_ =	shalt  }
0x6c: {  	_ =	shalt  }
0x6d: {  	_ =	shalt  }
0x6e: {  	_ =	shalt  }
0x6f: {  	_ =	shalt  }
0x70: {  	_ =	shalt  }
0x71: {  	_ =	shalt  }
0x72: {  	_ =	shalt  }
0x73: {  	_ =	shalt  }
0x74: {  	_ =	shalt  }
0x75: {  	_ =	shalt  }
0x76: {  	_ =	shalt  }
0x77: {  	_ =	shalt  }
0x78: {  	_ =	shalt  }
0x79: {  	_ =	shalt  }
0x7a: {  	_ =	shalt  }
0x7b: {  	_ =	shalt  }
0x7c: {  	_ =	shalt  }
0x7d: {  	_ =	shalt  }
0x7e: {  	_ =	shalt  }
0x7f: {  	_ =	shalt  }
0x80: {  	_ =	shalt  }
0x81: {  	_ =	shalt  }
0x82: {  	_ =	shalt  }
0x83: {  	_ =	shalt  }
0x84: {  	_ =	shalt  }
0x85: {  	_ =	shalt  }
0x86: {  	_ =	shalt  }
0x87: {  	_ =	shalt  }
.Lfunc_end0:
.L_simem_size_0:
called_computation_lowered:
.L_overlay_start_0:
0x88: {  	s2 =	sld [smem:$0x3FD9]  }
0x89: {  	s3 =	sld [smem:$0x3FFE];
	_ =	sdelay $0x1  }
0x8a: {  	s1 =	srdreg.scid  }
0x8b: {  	s0 =	sand.u32 $0x1, s1  }
0x8c: {  	s17 =	sshll.u32 s0, $0xA;
	s2 =	sadd.s32 s3, s2  }
0x8d: {  	s2 =	sadd.s32 s2, s17  }
0x8e: {  	[smem:$0x3FC5] =	sst s2  }
0x8f: {  	_ = 	snop  }
0x90: {  	s2 =	sld [smem:$0x3FC8]  }
0x91: {  	s18 =	sld [smem:$0x3FD0];
	(tm) =	ssettm $0x1  }
0x92: {  	s4 =	sld [smem:$0x3FFB];
	_ =	sdelay $0x3  }
0x93: {  	_ =	strace s4  }
0x94: {  	s4 =	sld [smem:$0x3FFC];
	_ =	sdelay $0x3  }
0x95: {  	_ =	strace s4  }
0x96: {  	s4 =	sld [smem:$0x3FFD];
	_ =	sdelay $0x3  }
0x97: {  	_ =	strace s4  }
0x98: {  	_ =	strace $0x8FFFFFFF  }
0x99: {  	s19 =	sld [smem:$0x3FDB];
	_ =	sdelay $0x1  }
0x9a: {  	s5 =	simm.s32 $_scs_section_size  }
0x9b: {  	s6 =	simm.s32 $_size__tile_overlayer_lowered;
	s7 =	simm.s32 $_tile_overlayer_lowered  }
0x9c: {  	s22 =	simm.s32 $0x1BFF;
	s21 =	sshll.u32 s7, $0x1;
	s4 =	sadd.s32 s5, s19  }
0x9d: {  	s8 =	simm.s32 $0x0;
	s20 =	sshll.u32 s6, $0x1;
	s6 =	sadd.s32 s21, s4  }
0x9e: {  	[timem:s8], [sflag:s22] =	dma.local [hbm:s6], s20  }
0x9f: {  	_ =	swait.ge [sflag:s22], s20  }
0xa0: {  	s5 =	ssub.s32 $0x0, s20;
	[sflag:s22] =	ssyncset.done $0x0  }
0xa1: {  	[sflag:s22] =	ssyncadd.s32 s5;
	_ =	sdelay $0x1  }
0xa2: {  	s23 =	simm.s32 $0x1B8B  }
0xa3: {  	_ =	swait.ge [sflag:s23], $0x1  }
0xa4: {  	[sflag:s23] =	ssyncset.done $0x0  }
0xa5: {  	s25 =	simm.s32 $0x1B8E;
	s24 =	sld [smem:$0x3FFE];
	[sflag:s23] =	ssyncadd.s32 $0xFFFFFFFF  }
0xa6: {  	s26 =	simm.s32 $execute0_lowered;
	[smem:$0x3FD2] =	sst s25  }
0xa7: {  	s6 =	sshll.u32 s26, $0x1;
	_ =	strace $0x80000046;
	[dreg:$0x1] =	wrdreg $0xFFFFFFFF  }
0xa8: {  	s28 =	simm.s32 $_size_execute0_lowered;
	s4 =	sadd.s32 s4, s6;
	[dreg:$0x0] =	wrdreg $0x0  }
0xa9: {  	s6 =	sshll.u32 s28, $0x1;
	[dreg:$0x2] =	wrdreg s4  }
0xaa: {  	[dreg:$0x3] =	wrdreg s6  }
0xab: {  	[dreg:$0x4] =	wrdreg $0xC0  }
0xac: {  	_ =	task [dreg:s8], $0x5FFFF  }
0xad: {  	[dreg:$0x1] =	wrdreg $0xFFFFFFFF  }
0xae: {  	[dreg:$0x0] =	wrdreg $0x60  }
0xaf: {  	[dreg:$0x2] =	wrdreg s24  }
0xb0: {  	[dreg:$0x3] =	wrdreg s2  }
0xb1: {  	[dreg:$0x4] =	wrdreg s18  }
0xb2: {  	[dreg:$0x5] =	wrdreg $0x11B800  }
0xb3: {  	[dreg:$0x6] =	wrdreg $0x9  }
0xb4: {  	_ =	task.clear_ibuf [dreg:s8], $0x7FFFF;
	_ =	strace $0x90000046  }
0xb5: {  	s29 =	simm.s32 $0x9;
	_ =	strace $0x80000048  }
0xb6: {  	_ =	swait.ge [sflag:s29], $0x1  }
0xb7: {  	[sflag:s29] =	ssyncadd.s32 $0xFFFFFFFF  }
0xb8: {  	_ =	strace $0x90000048  }
0xb9: {  	_ =	sfence  }
0xba: {  	s30 =	sld [smem:$0x0];
	_ =	sdelay $0x2  }
0xbb: {  	s31 =	sshll.u32 s1, $0xD;
	s1 =	sshrl.u32 s1, $0x2  }
0xbc: {  	s3 =	sand.u32 $0x4000, s31;
	s1 =	sadd.s32 s1, s30  }
0xbd: {  	s0 =	sor.u32 s3, s0;
	s1 =	sshll.u32 s1, $0x11  }
0xbe: {  	s0 =	sor.u32 s1, s0  }
0xbf: {  	s0 =	sadd.s32 $0x8F2B, s0  }
0xc0: {  	[sflag:s0] =	ssyncadd.remote.s32 $0x1  }
0xc1: {  	_ =	sfence.sel $0xFFFF  }
0xc2: {  	[dreg:$0x0] =	wrdreg $0xFFFFFFFF;
	(pc) =	sbr.abs _section_cstart, $3  }
0xc3: {  	[dreg:$0x1] =	wrdreg $0xFFFFFFFF  }
0xc4: {  	_ =	task.clear_ibuf [dreg:s8], $0x2FFFF;
	_ =	strace $0x9FFFFFFF  }
0xc5: {  	(tm) =	ssettm $0x7FFFFFFF  }
tec
execute0_lowered:
.L_overlay_start_1:
0x0: {  	(tag) =	ssettag $0x1  }
0x1: {  	s5 =	rddreg [dreg:$0x0]  }
0x2: {  	s1 =	rddreg [dreg:$0x1]  }
0x3: {  	s2 =	rddreg [dreg:$0x2]  }
0x4: {  	s3 =	rddreg [dreg:$0x3]  }
0x5: {  	s0 =	rddreg [dreg:$0x4];
	s4 =	simm.s32 $0x0  }
0x6: {  	s7 =	srdreg.scid;
	s15 =	simm.s32 $0x1CD40;
	s16 =	simm.s32 $0x2  }
0x7: {  	s17 =	simm.s32 $0x1CDB8;
	s18 =	simm.s32 $0x0;
	s26 =	simm.s32 $0x10  }
0x8: {  	[smem:$0x7FF] =	sst s4;
	s6 =	sadd.s32 $0x600, s5;
	s8 =	sand.u32 $0x1, s7  }
0x9: {  	s7 =	sadd.s32 $0x282600, s5;
	s5 =	stileid.u32;
	_ =	strace $0x80000047  }
0xa: {  	s9 =	ssub.s32 $0x2, s8;
	s11 =	sshll.u32 s5, $0x5;
	s8 =	sshll.u32 s8, $0x4  }
0xb: {  	s12 =	sshrl.u32 s5, $0x2;
	s13 =	smul.u32 $0xA200, s5;
	s10 =	sshrl.u32 s9, $0x1  }
0xc: {  	s11 =	sand.u32 $0x60, s11;
	s14 =	ssub.s32 s9, s10;
	s9 =	smul.u32 $0x504000, s12  }
0xd: {  	v0 =	vlaneseq.u32;
	s8 =	sor.u32 s8, s11;
	s10 =	smul.u32 $0x144000, s12;
	s12 =	sshrl.u32 s13, $0x2  }
0xe: {  	v0 =	vmul.u32 $0x8, v0;
	s13 =	simm.s32 $0x12D38;
	s11 =	smax.u32 s14, $0x1;
	s14 =	simm.s32 $0x1  }
.LBB2_1:
.Ltmp0:
0xf: {  	(pc) =	sbr.rel .LBB2_2-.Ltmp0, $4  }
0x10: {  	[tilespmem:s13], [sflag:$0x1] =	stream.linear.gather [hbm4b:s1+s4], $0xA008, $0x38;
	[tilespmem:$0x1F638] =	vst v63  }
0x11: {  	_ =	swait.ge [sflag:s14], $0xA008  }
0x12: {  	s19 =	stileid.u32;
	[sflag:s14] =	ssyncset.done $0x0  }
0x13: {  	s20 =	smov.u32 s12;
	s21 =	simm.s32 $0x0;
	[sflag:s14] =	ssyncadd.s32 $0xFFFF5FF8  }
.LBB2_6:
0x14: {  	s21 =	sadd.s32 $0x1, s21  }
0x15: {  	p0 =	sne.s32 s21, $0x6  }
.Ltmp1:
0x16: {  	_ = 	snop;
	(pc) =	sbr.rel @!p0 .LBB2_7-.Ltmp1, $2  }
0x17: {  	_ =	sdelay $0x2  }
0x18: {  	s20 =	sadd.s32 $0x28800, s20;
	s19 =	sadd.s32 $0x10, s19  }
.LBB2_2:
0x19: {  	s22 =	sshll.u32 s21, $0x4  }
0x1a: {  	s22 =	sor.u32 s5, s22  }
0x1b: {  	p0 =	sgt.u32 s22, $0x53  }
.Ltmp2:
0x1c: {  	_ = 	snop;
	(pc) =	sbr.rel @p0 .LBB2_6-.Ltmp2, $1  }
0x1d: {  	_ =	sdelay $0x3  }
0x1e: {  	s23 =	smul.u32 $0x25, s22;
	_ =	sdelay $0x1  }
0x1f: {  	s23 =	sshrl.u32 s23, $0x8  }
0x20: {  	s24 =	ssub.s32 s22, s23  }
0x21: {  	s24 =	sand.u32 $0xFE, s24  }
0x22: {  	s24 =	sshrl.u32 s24, $0x1  }
0x23: {  	s23 =	sadd.s32 s23, s24  }
0x24: {  	s23 =	sand.u32 $0xFC, s23  }
0x25: {  	s23 =	sshrl.u32 s23, $0x2  }
0x26: {  	s31 =	smul.u32 $0x7, s23;
	_ =	sdelay $0x1  }
0x27: {  	s25 =	ssub.s32 s22, s31  }
0x28: {  	s28 =	simm.s32 $0x0;
	s22 =	sand.u32 $0xFF, s25  }
0x29: {  	v2 =	vmov s28;
	v1 =	vmov s22  }
0x2a: {  	v2 =	vshll.u32 v2, $0x3;
	s25 =	smul.u32 $0x360, s23;
	v1 =	vbroadcast v1, $0x0  }
0x2b: {  	v2 =	vor.u32 v0, v2  }
0x2c: {  	s23 =	sadd.s32 s2, s25;
	v2 =	vor.u32 v1, v2  }
0x2d: {  	[tilespmem:s15], [sflag:$0x2] =	stream.linear.gather [hbm4b:s23+s28], $0x1B00, $0x38;
	[tilespmem:$0x1F638] =	vst v63  }
0x2e: {  	_ =	swait.ge [sflag:s16], $0x1B00  }
0x2f: {  	[sflag:s16] =	ssyncset.done $0x0  }
0x30: {  	[sflag:s16] =	ssyncadd.s32 $0xFFFFE500  }
0x31: {  	v2 =	vld.idx.msk [tilespmem:v2+s15+$0x0], $0xffff;
	_ =	sdelay $0x2  }
0x32: {  	s29 =	smulhi.u32 $0x24924925, s19;
	_ =	sdelay $0x1  }
0x33: {  	s30 =	ssub.s32 s19, s29  }
0x34: {  	v3 =	vmov s26;
	s24 =	sshrl.u32 s30, $0x1  }
0x35: {  	v3 =	vshll.u32 v3, $0x3;
	s23 =	sadd.s32 s29, s24  }
0x36: {  	v3 =	vor.u32 v0, v3;
	s23 =	sshrl.u32 s23, $0x2;
	v2 =	vld.idx.msk [tilespmem:v2+s13+$0x0], $0xffff  }
0x37: {  	v3 =	vor.u32 v1, v3;
	s23 =	smul.u32 $0xFFFB9F80, s23;
	_ =	sdelay $0x1  }
0x38: {  	s23 =	sshra.s32 s23, $0x2  }
0x39: {  	s23 =	sadd.s32 s23, s20  }
0x3a: {  	[tilespmem:s23+$0x0] =	vst v2  }
0x3b: {  	v2 =	vld.idx.msk [tilespmem:v3+s15+$0x0], $0xffff;
	_ =	sdelay $0x4  }
0x3c: {  	s22 =	smul.u32 $0x2880, s22  }
0x3d: {  	s31 =	simm.s32 $0x20  }
0x3e: {  	s22 =	sadd.s32 s25, s22;
	s24 =	simm.s32 $0x30;
	v3 =	vmov s31  }
.LBB2_4:
0x3f: {  	p0 =	sne.s32 s24, $0x350;
	v3 =	vshll.u32 v3, $0x3;
	v2 =	vld.idx.msk [tilespmem:v2+s13+$0x0], $0xffff  }
0x40: {  	v3 =	vor.u32 v0, v3  }
0x41: {  	v3 =	vor.u32 v1, v3;
	_ =	sdelay $0x2  }
0x42: {  	s23 =	sadd.s32 $0x10, s23  }
0x43: {  	[tilespmem:s23+$0x0] =	vst v2  }
0x44: {  	v2 =	vld.idx.msk [tilespmem:v3+s15+$0x0], $0xffff;
	_ =	sdelay $0x2  }
.Ltmp3:
0x45: {  	(pc) =	sbr.rel @p0 .LBB2_4-.Ltmp3, $2  }
0x46: {  	_ =	sdelay $0x2  }
0x47: {  	v3 =	vmov s24;
	s24 =	sadd.s32 $0x10, s24  }
0x48: {  	_ =	sdelay $0x2  }
0x49: {  	v3 =	vshll.u32 v3, $0x3  }
0x4a: {  	v2 =	vld.idx.msk [tilespmem:v2+s13+$0x0], $0xffff;
	v3 =	vor.u32 v0, v3  }
0x4b: {  	v1 =	vor.u32 v1, v3;
	_ =	sdelay $0x2  }
0x4c: {  	s23 =	sadd.s32 $0x10, s23  }
0x4d: {  	[tilespmem:s23+$0x0] =	vst v2  }
0x4e: {  	v1 =	vld.idx.msk [tilespmem:v1+s15+$0x0], $0xffff;
	_ =	sdelay $0x7  }
0x4f: {  	v1 =	vld.idx.msk [tilespmem:v1+s13+$0x0], $0xffff;
	_ =	sdelay $0x3  }
0x50: {  	s23 =	sadd.s32 $0x10, s23  }
.Ltmp4:
0x51: {  	s31 =	sadd.s32 s22, s3;
	[tilespmem:s23+$0x0] =	vst v1;
	(pc) =	sbr.rel .LBB2_6-.Ltmp4, $4  }
0x52: {  	[spmem:s31] =	stream.linear.scatter [tilespmem:s22], [sflag:$0x1], $0x360, $0x38;
	[tilespmem:$0x1F638] =	vst v63  }
0x53: {  	_ =	swait.ge [sflag:s14], $0x360  }
0x54: {  	[sflag:s14] =	ssyncset.done $0x0  }
0x55: {  	[sflag:s14] =	ssyncadd.s32 $0xFFFFFCA0  }
.LBB2_7:
0x56: {  	[bflag:$0x0] =	sbarrier.arrive $0xFFFF;
	s19 =	simm.s32 $0x0  }
0x57: {  	[tilespmem:s19], [sflag:$0x1] =	stream.linear.gather [spmem:s3], $0x11B80, $0x38;
	[tilespmem:$0x1F638] =	vst v63  }
0x58: {  	_ =	swait.ge [sflag:s14], $0x11B80  }
0x59: {  	[sflag:s14] =	ssyncset.done $0x0  }
0x5a: {  	s20 =	simm.s32 $0x0;
	[sflag:s14] =	ssyncadd.s32 $0xFFFEE480  }
.LBB2_8:
0x5b: {  	s21 =	sadd.s32 s8, s20  }
0x5c: {  	s22 =	smul.u32 $0xA080, s21;
	_ =	sdelay $0x1  }
0x5d: {  	s22 =	sadd.s32 s9, s22  }
0x5e: {  	s22 =	sshrl.u32 s22, $0x3  }
0x5f: {  	s22 =	sadd.s32 s6, s22  }
0x60: {  	[tilespmem:s13], [sflag:$0x1] =	stream.linear.gather [hbm4b:s22+s19], $0xA080, $0x38;
	[tilespmem:$0x1F638] =	vst v63  }
0x61: {  	_ =	swait.ge [sflag:s14], $0xA080  }
0x62: {  	[sflag:s14] =	ssyncset.done $0x0  }
0x63: {  	s22 =	simm.s32 $0x0;
	[sflag:s14] =	ssyncadd.s32 $0xFFFF5F80  }
0x64: {  	v1 =	vld [tilespmem:s22+$0x0]  }
0x65: {  	v3 =	vld [tilespmem:s22+$0x2880]  }
0x66: {  	v4 =	vld [tilespmem:s22+$0x5100]  }
0x67: {  	v5 =	vld [tilespmem:s22+$0x7980]  }
0x68: {  	v6 =	vld [tilespmem:s22+$0xA200]  }
0x69: {  	v7 =	vld [tilespmem:s22+$0xCA80]  }
0x6a: {  	s23 =	simm.s32 $0x10;
	v8 =	vld [tilespmem:s22+$0xF300]  }
0x6b: {  	v2 =	vld [tilespmem:s23+$0x0]  }
0x6c: {  	v1 =	vld.idx.msk [tilespmem:v1+s13+$0x0], $0xffff  }
0x6d: {  	v3 =	vld.idx.msk [tilespmem:v3+s13+$0x0], $0xffff  }
0x6e: {  	v4 =	vld.idx.msk [tilespmem:v4+s13+$0x0], $0xffff  }
0x6f: {  	v5 =	vld.idx.msk [tilespmem:v5+s13+$0x0], $0xffff  }
0x70: {  	v6 =	vld.idx.msk [tilespmem:v6+s13+$0x0], $0xffff  }
0x71: {  	v12 =	vld.idx.msk [tilespmem:v7+s13+$0x0], $0xffff  }
0x72: {  	v7 =	vld.idx.msk [tilespmem:v8+s13+$0x0], $0xffff  }
0x73: {  	v8 =	vld [tilespmem:s23+$0x2880]  }
0x74: {  	v9 =	vld [tilespmem:s23+$0x5100]  }
0x75: {  	v10 =	vld [tilespmem:s23+$0x7980]  }
0x76: {  	s24 =	simm.s32 $0x80;
	v11 =	vld [tilespmem:s23+$0xA200]  }
.LBB2_9:
0x77: {  	p0 =	sne.s32 s24, $0xA1C0;
	v13 =	vld [tilespmem:s23+$0xCA80];
	v1 =	vmax.f32 v1, v3;
	v3 =	vmax.f32 v4, v5;
	v4 =	vmax.f32 v6, v12  }
0x78: {  	s25 =	sshra.s32 s24, $0x2;
	v14 =	vld [tilespmem:s23+$0xF300];
	v1 =	vmax.f32 v1, v3;
	v3 =	vmax.f32 v4, v7  }
0x79: {  	v7 =	vld [tilespmem:s25+$0x0];
	v3 =	vmax.f32 v1, v3  }
0x7a: {  	v1 =	vld.idx.msk [tilespmem:v2+s13+$0x0], $0xffff;
	[tilespmem:s22+$0x1CDB8] =	vst v3;
	s22 =	smov.u32 s23;
	s23 =	smov.u32 s25  }
0x7b: {  	v3 =	vld.idx.msk [tilespmem:v8+s13+$0x0], $0xffff  }
0x7c: {  	v4 =	vld.idx.msk [tilespmem:v9+s13+$0x0], $0xffff  }
0x7d: {  	v5 =	vld.idx.msk [tilespmem:v10+s13+$0x0], $0xffff  }
0x7e: {  	v6 =	vld.idx.msk [tilespmem:v11+s13+$0x0], $0xffff;
	v2 =	vmov v7  }
0x7f: {  	v12 =	vld.idx.msk [tilespmem:v13+s13+$0x0], $0xffff  }
.Ltmp5:
0x80: {  	v7 =	vld.idx.msk [tilespmem:v14+s13+$0x0], $0xffff;
	(pc) =	sbr.rel @p0 .LBB2_9-.Ltmp5, $4  }
0x81: {  	v8 =	vld [tilespmem:s23+$0x2880]  }
0x82: {  	v9 =	vld [tilespmem:s23+$0x5100]  }
0x83: {  	v10 =	vld [tilespmem:s23+$0x7980]  }
0x84: {  	s24 =	sadd.s32 $0x40, s24;
	v11 =	vld [tilespmem:s23+$0xA200]  }
0x85: {  	_ = 	snop  }
0x86: {  	v13 =	vld [tilespmem:s23+$0xCA80]  }
0x87: {  	v14 =	vld [tilespmem:s23+$0xF300];
	_ =	sdelay $0x1  }
0x88: {  	v2 =	vld.idx.msk [tilespmem:v2+s13+$0x0], $0xffff  }
0x89: {  	v8 =	vld.idx.msk [tilespmem:v8+s13+$0x0], $0xffff  }
0x8a: {  	v9 =	vld.idx.msk [tilespmem:v9+s13+$0x0], $0xffff  }
0x8b: {  	v10 =	vld.idx.msk [tilespmem:v10+s13+$0x0], $0xffff  }
0x8c: {  	v11 =	vld.idx.msk [tilespmem:v11+s13+$0x0], $0xffff  }
0x8d: {  	v13 =	vld.idx.msk [tilespmem:v13+s13+$0x0], $0xffff  }
0x8e: {  	v14 =	vld.idx.msk [tilespmem:v14+s13+$0x0], $0xffff;
	_ =	sdelay $0x1  }
0x8f: {  	v1 =	vmax.f32 v1, v3;
	v3 =	vmax.f32 v4, v5;
	v61 =	vmax.f32 v6, v12  }
0x90: {  	s21 =	smul.u32 $0x2880, s21;
	v1 =	vmax.f32 v1, v3;
	v3 =	vmax.f32 v61, v7  }
0x91: {  	v2 =	vmax.f32 v2, v8;
	v62 =	vmax.f32 v9, v10;
	v63 =	vmax.f32 v11, v13  }
0x92: {  	s20 =	sadd.s32 $0x1, s20;
	v1 =	vmax.f32 v1, v3;
	s21 =	sadd.s32 s10, s21;
	v2 =	vmax.f32 v2, v62;
	v3 =	vmax.f32 v63, v14  }
0x93: {  	p0 =	sne.s32 s20, $0x10;
	[tilespmem:s22+$0x1CDB8] =	vst v1;
	s21 =	sshrl.u32 s21, $0x3;
	v1 =	vmax.f32 v2, v3  }
.Ltmp6:
0x94: {  	s21 =	sadd.s32 s7, s21;
	[tilespmem:s23+$0x1CDB8] =	vst v1;
	(pc) =	sbr.rel @p0 .LBB2_8-.Ltmp6, $4  }
0x95: {  	[hbm4b:s21+s4] =	stream.linear.scatter [tilespmem:s17], [sflag:$0x1], $0x2880, $0x38;
	[tilespmem:$0x1F638] =	vst v63  }
0x96: {  	_ =	swait.ge [sflag:s14], $0x2880  }
0x97: {  	[sflag:s14] =	ssyncset.done $0x0  }
0x98: {  	[sflag:s14] =	ssyncadd.s32 $0xFFFFD780  }
0x99: {  	s18 =	sadd.s32 $0x1, s18  }
0x9a: {  	p0 =	sne.s32 s18, s11  }
.Ltmp7:
0x9b: {  	_ = 	snop;
	(pc) =	sbr.rel @p0 .LBB2_1-.Ltmp7, $1  }
0x9c: {  	_ =	sdelay $0x3  }
0x9d: {  	_ =	sfence.sel $0x180000  }
0x9e: {  	[bflag:$0x0] =	sbarrier.arrive $0xFFFF  }
0x9f: {  	p0 =	sne.s32 s5, $0x0;
	_ =	strace $0x90000047  }
0xa0: {  	s0 =	sadd.s32 @!p0 $0x100000, s0;
	[bflag:$0x2] =	sbarrier.arrive $0xFFFF  }
0xa1: {  	[sflag:s0] =	ssyncadd.tile.s32 @!p0 $0x1;
	_ =	shalt  }
.Lfunc_end2:
_tile_overlayer_lowered:
.L_overlay_start_2:
0xa2: {  	(tag) =	ssettag $0x2  }
0xa3: {  	s0 =	rddreg [dreg:$0x0];
	s2 =	stileid.u32  }
0xa4: {  	s1 =	rddreg [dreg:$0x1];
	p0 =	sne.s32 s2, $0x0  }
0xa5: {  	s3 =	rddreg [dreg:$0x2];
	[bflag:$0x3] =	sbarrier.arrive $0xFFFF;
	s2 =	simm.s32 @!p0 $0x1C01  }
0xa6: {  	[timem:s3], [sflag:s2] =	dma.local @!p0 [hbm:s0], s1  }
0xa7: {  	s0 =	simm.s32 @!p0 $0x1  }
0xa8: {  	_ =	swait.ge @!p0 [sflag:s0], s1  }
0xa9: {  	s1 =	ssub.s32 @!p0 $0x0, s1;
	[sflag:s0] =	ssyncset.done @!p0 $0x0  }
0xaa: {  	[sflag:s0] =	ssyncadd.s32 @!p0 s1  }
0xab: {  	[bflag:$0x3] =	sbarrier.arrive $0xFFFF  }
0xac: {  	_ =	shalt  }

</sc_bundles>
